<compile_context>
chip_gen: v7x
topology: tpu7x:2x2x1
jax: 0.10.2.dev20260603
libtpu: 0.0.44.dev20260713+nightly
codegen_flags: <defaults>
</compile_context>

<pallas_src>
import functools

import jax
import jax.numpy as jnp
from jax import lax
from jax.experimental import pallas as pl
from jax.experimental.pallas import tpu as pltpu
from jax.experimental.pallas import tpu_sc as plsc

B = 1024
L = 50
V = 1000
LANES = 16
NUM_WORKERS = 32
ROWS_PER_W = B // NUM_WORKERS
CHUNK = 16
INV_L = 1.0 / L

_mesh = plsc.VectorSubcoreMesh(core_axis_name="c", subcore_axis_name="s")


@functools.partial(
    pl.kernel,
    out_type=jax.ShapeDtypeStruct((B, V), jnp.float32),
    mesh=_mesh,
    scratch_types=[
        pltpu.VMEM((ROWS_PER_W, L), jnp.int32),
        pltpu.VMEM((ROWS_PER_W, V), jnp.float32),
        pltpu.SemaphoreType.DMA,
        pltpu.SemaphoreType.DMA,
    ],
    compiler_params=pltpu.CompilerParams(needs_layout_passes=False,
                                         skip_device_barrier=True),
)
def _histogram_kernel(assign_hbm, out_hbm, idx_v, cnt_v, sem_in, sem_out):
    wid = lax.axis_index("c") * 16 + lax.axis_index("s")
    base = wid * ROWS_PER_W

    pltpu.async_copy(assign_hbm.at[pl.ds(base, ROWS_PER_W)], idx_v, sem_in)

    zeros = jnp.zeros((LANES,), jnp.float32)
    val = jnp.full((LANES,), INV_L, jnp.float32)
    lane = lax.iota(jnp.int32, LANES)
    tail_mask = lane >= (LANES - (L - 3 * LANES))
    full_mask = lane >= 0

    def zero_body(r, carry):
        for j in range(V // LANES + 1):
            off = min(j * LANES, V - LANES)
            cnt_v[r, pl.ds(off, LANES)] = zeros
        return carry

    lax.fori_loop(0, ROWS_PER_W, zero_body, None)

    pltpu.make_async_copy(assign_hbm.at[pl.ds(base, ROWS_PER_W)], idx_v,
                          sem_in).wait()

    def scatter_body(r, carry):
        rowv = jnp.full((LANES,), r, jnp.int32)
        for off, mask in ((0, full_mask), (16, full_mask),
                          (32, full_mask), (L - LANES, tail_mask)):
            col = idx_v[r, pl.ds(off, LANES)]
            plsc.addupdate_scatter(cnt_v, [rowv, col], val, mask=mask)
        return carry

    for c in range(ROWS_PER_W // CHUNK):
        lax.fori_loop(c * CHUNK, (c + 1) * CHUNK, scatter_body, None)
        pltpu.async_copy(cnt_v.at[pl.ds(c * CHUNK, CHUNK)],
                         out_hbm.at[pl.ds(base + c * CHUNK, CHUNK)], sem_out)

    for c in range(ROWS_PER_W // CHUNK):
        pltpu.make_async_copy(cnt_v.at[pl.ds(c * CHUNK, CHUNK)],
                              out_hbm.at[pl.ds(base + c * CHUNK, CHUNK)],
                              sem_out).wait()


def kernel(assignments):
    return _histogram_kernel(assignments)

# --- scband reference (transcript-rebuilt; emitter-appended) ---
"""Pipeline reference for scband-xterm-frequency-39058432590042 (READ-ONLY COPY).

The authoritative reference and input builder live on the scoring server;
editing this copy changes nothing except your own understanding.
"""

import jax, jax.numpy as jnp
import numpy as np

VOCAB_SIZE = 1000


def setup_inputs(seed: int = 0) -> dict:
    key = jax.random.key(seed)
    assignments = jax.random.randint(key, (1024, 50), 0, VOCAB_SIZE, dtype=jnp.int32)
    return {"assignments": assignments}


def reference(assignments):
    # Faithful translation of XTermFrequency.forward for 2D input [B, L]:
    # counts[b, v] = sum_l (assignments[b, l] == v)
    # frequency = counts / counts.sum(-1, keepdim=True)
    size_ndim = assignments.ndim  # 2
    one_hot_cmp = assignments[..., None] == jnp.arange(VOCAB_SIZE)[(None,) * size_ndim + (slice(None),)][0] if False else (assignments[..., None] == jnp.arange(VOCAB_SIZE)[None, None, :])
    counts = one_hot_cmp.sum(axis=size_ndim - 1)  # [B, V], integer counts
    frequency = counts / counts.sum(axis=-1, keepdims=True)  # int/int -> float (true divide), matches torch /
    return frequency

if __name__ == "__main__":
    import jax
    _d = setup_inputs()
    print(jax.jit(kernel)(*tuple(_d.values())))

</pallas_src>

<mosaic_0001>
#map = affine_map<(d0, d1) -> (0, 0)>
module attributes {stable_mosaic.version = 14 : i64} {
  func.func @_histogram_kernel(%arg0: i32, %arg1: i32, %arg2: memref<1024x50xi32, #tpu.memory_space<hbm>>, %arg3: memref<1024x1000xf32, #tpu.memory_space<hbm>>, %arg4: memref<32x50xi32, #tpu.memory_space<vmem>>, %arg5: memref<32x1000xf32, #tpu.memory_space<vmem>>, %arg6: memref<!tpu.dma_semaphore, #tpu.memory_space<semaphore_mem>>, %arg7: memref<!tpu.dma_semaphore, #tpu.memory_space<semaphore_mem>>) attributes {dimension_semantics = [#tpu.dimension_semantics<core_parallel>, #tpu.dimension_semantics<subcore_parallel>], iteration_bounds = array<i64: 2, 16>, scalar_prefetch = 0 : i64, scratch_operands = 4 : i64, tpu.core_type = #tpu.core_type<sc_vector_subcore>, window_params = [{transform_indices = #map}, {transform_indices = #map}]} {
    %mul3A = arith.constant 16 : i32
    %mul3A_0 = arith.muli %arg0, %mul3A : i32
    %add3A = arith.addi %mul3A_0, %arg1 : i32
    %mul3A_1 = arith.constant 32 : i32
    %mul3A_2 = arith.muli %add3A, %mul3A_1 : i32
    %dma_start3A = arith.constant 0 : i32
    %dma_start3A_3 = tpu.memref_slice %arg2[%mul3A_2, %dma_start3A] : memref<1024x50xi32, #tpu.memory_space<hbm>> -> memref<32x50xi32, #tpu.memory_space<hbm>>
    %dma_start3A_4 = arith.constant 0 : i32
    %dma_start3A_5 = tpu.memref_slice %arg2[%mul3A_2, %dma_start3A_4] : memref<1024x50xi32, #tpu.memory_space<hbm>> -> memref<32x50xi32, #tpu.memory_space<hbm>>
    tpu.enqueue_dma source(%dma_start3A_5 : memref<32x50xi32, #tpu.memory_space<hbm>>) target(%arg4 : memref<32x50xi32, #tpu.memory_space<vmem>>) target_semaphore(%arg6 : memref<!tpu.dma_semaphore, #tpu.memory_space<semaphore_mem>>)
    %broadcast_in_dim3A = arith.constant 0.000000e+00 : f32
    %broadcast_in_dim3A_6 = vector.broadcast %broadcast_in_dim3A : f32 to vector<16xf32>
    %broadcast_in_dim3A_7 = arith.constant 2.000000e-02 : f32
    %broadcast_in_dim3A_8 = vector.broadcast %broadcast_in_dim3A_7 : f32 to vector<16xf32>
    %iota3A = tpu.iota {dimensions = array<i32: 0>} : vector<16xi32>
    %ge3A = arith.constant 14 : i32
    %ge3A_9 = vector.broadcast %ge3A : i32 to vector<16xi32>
    %ge3A_10 = arith.cmpi sge, %iota3A, %ge3A_9 : vector<16xi32>
    %ge3A_11 = arith.constant 0 : i32
    %ge3A_12 = vector.broadcast %ge3A_11 : i32 to vector<16xi32>
    %ge3A_13 = arith.cmpi sge, %iota3A, %ge3A_12 : vector<16xi32>
    %scan3A = arith.constant 0 : i32
    %scan3A_14 = arith.constant 32 : i32
    %scan3A_15 = arith.addi %scan3A, %scan3A_14 : i32
    %scan3A_16 = arith.constant 1 : i32
    scf.for %scan3A_79 = %scan3A to %scan3A_15 step %scan3A_16  : i32 {
      %swap3A = arith.index_cast %scan3A_79 : i32 to index
      %swap3A_80 = arith.constant 0 : index
      %swap3A_81 = tpu.vector_load %arg5[%swap3A, %swap3A_80] {strides = array<i32>} : memref<32x1000xf32, #tpu.memory_space<vmem>>, vector<16xf32>,
      tpu.vector_store %arg5[%swap3A, %swap3A_80], %broadcast_in_dim3A_6 {strides = array<i32>} : memref<32x1000xf32, #tpu.memory_space<vmem>>, vector<16xf32>,
      %swap3A_82 = arith.index_cast %scan3A_79 : i32 to index
      %swap3A_83 = arith.constant 16 : index
      %swap3A_84 = tpu.vector_load %arg5[%swap3A_82, %swap3A_83] {strides = array<i32>} : memref<32x1000xf32, #tpu.memory_space<vmem>>, vector<16xf32>,
      tpu.vector_store %arg5[%swap3A_82, %swap3A_83], %broadcast_in_dim3A_6 {strides = array<i32>} : memref<32x1000xf32, #tpu.memory_space<vmem>>, vector<16xf32>,
      %swap3A_85 = arith.index_cast %scan3A_79 : i32 to index
      %swap3A_86 = arith.constant 32 : index
      %swap3A_87 = tpu.vector_load %arg5[%swap3A_85, %swap3A_86] {strides = array<i32>} : memref<32x1000xf32, #tpu.memory_space<vmem>>, vector<16xf32>,
      tpu.vector_store %arg5[%swap3A_85, %swap3A_86], %broadcast_in_dim3A_6 {strides = array<i32>} : memref<32x1000xf32, #tpu.memory_space<vmem>>, vector<16xf32>,
      %swap3A_88 = arith.index_cast %scan3A_79 : i32 to index
      %swap3A_89 = arith.constant 48 : index
      %swap3A_90 = tpu.vector_load %arg5[%swap3A_88, %swap3A_89] {strides = array<i32>} : memref<32x1000xf32, #tpu.memory_space<vmem>>, vector<16xf32>,
      tpu.vector_store %arg5[%swap3A_88, %swap3A_89], %broadcast_in_dim3A_6 {strides = array<i32>} : memref<32x1000xf32, #tpu.memory_space<vmem>>, vector<16xf32>,
      %swap3A_91 = arith.index_cast %scan3A_79 : i32 to index
      %swap3A_92 = arith.constant 64 : index
      %swap3A_93 = tpu.vector_load %arg5[%swap3A_91, %swap3A_92] {strides = array<i32>} : memref<32x1000xf32, #tpu.memory_space<vmem>>, vector<16xf32>,
      tpu.vector_store %arg5[%swap3A_91, %swap3A_92], %broadcast_in_dim3A_6 {strides = array<i32>} : memref<32x1000xf32, #tpu.memory_space<vmem>>, vector<16xf32>,
      %swap3A_94 = arith.index_cast %scan3A_79 : i32 to index
      %swap3A_95 = arith.constant 80 : index
      %swap3A_96 = tpu.vector_load %arg5[%swap3A_94, %swap3A_95] {strides = array<i32>} : memref<32x1000xf32, #tpu.memory_space<vmem>>, vector<16xf32>,
      tpu.vector_store %arg5[%swap3A_94, %swap3A_95], %broadcast_in_dim3A_6 {strides = array<i32>} : memref<32x1000xf32, #tpu.memory_space<vmem>>, vector<16xf32>,
      %swap3A_97 = arith.index_cast %scan3A_79 : i32 to index
      %swap3A_98 = arith.constant 96 : index
      %swap3A_99 = tpu.vector_load %arg5[%swap3A_97, %swap3A_98] {strides = array<i32>} : memref<32x1000xf32, #tpu.memory_space<vmem>>, vector<16xf32>,
      tpu.vector_store %arg5[%swap3A_97, %swap3A_98], %broadcast_in_dim3A_6 {strides = array<i32>} : memref<32x1000xf32, #tpu.memory_space<vmem>>, vector<16xf32>,
      %swap3A_100 = arith.index_cast %scan3A_79 : i32 to index
      %swap3A_101 = arith.constant 112 : index
      %swap3A_102 = tpu.vector_load %arg5[%swap3A_100, %swap3A_101] {strides = array<i32>} : memref<32x1000xf32, #tpu.memory_space<vmem>>, vector<16xf32>,
      tpu.vector_store %arg5[%swap3A_100, %swap3A_101], %broadcast_in_dim3A_6 {strides = array<i32>} : memref<32x1000xf32, #tpu.memory_space<vmem>>, vector<16xf32>,
      %swap3A_103 = arith.index_cast %scan3A_79 : i32 to index
      %swap3A_104 = arith.constant 128 : index
      %swap3A_105 = tpu.vector_load %arg5[%swap3A_103, %swap3A_104] {strides = array<i32>} : memref<32x1000xf32, #tpu.memory_space<vmem>>, vector<16xf32>,
      tpu.vector_store %arg5[%swap3A_103, %swap3A_104], %broadcast_in_dim3A_6 {strides = array<i32>} : memref<32x1000xf32, #tpu.memory_space<vmem>>, vector<16xf32>,
      %swap3A_106 = arith.index_cast %scan3A_79 : i32 to index
      %swap3A_107 = arith.constant 144 : index
      %swap3A_108 = tpu.vector_load %arg5[%swap3A_106, %swap3A_107] {strides = array<i32>} : memref<32x1000xf32, #tpu.memory_space<vmem>>, vector<16xf32>,
      tpu.vector_store %arg5[%swap3A_106, %swap3A_107], %broadcast_in_dim3A_6 {strides = array<i32>} : memref<32x1000xf32, #tpu.memory_space<vmem>>, vector<16xf32>,
      %swap3A_109 = arith.index_cast %scan3A_79 : i32 to index
      %swap3A_110 = arith.constant 160 : index
      %swap3A_111 = tpu.vector_load %arg5[%swap3A_109, %swap3A_110] {strides = array<i32>} : memref<32x1000xf32, #tpu.memory_space<vmem>>, vector<16xf32>,
      tpu.vector_store %arg5[%swap3A_109, %swap3A_110], %broadcast_in_dim3A_6 {strides = array<i32>} : memref<32x1000xf32, #tpu.memory_space<vmem>>, vector<16xf32>,
      %swap3A_112 = arith.index_cast %scan3A_79 : i32 to index
      %swap3A_113 = arith.constant 176 : index
      %swap3A_114 = tpu.vector_load %arg5[%swap3A_112, %swap3A_113] {strides = array<i32>} : memref<32x1000xf32, #tpu.memory_space<vmem>>, vector<16xf32>,
      tpu.vector_store %arg5[%swap3A_112, %swap3A_113], %broadcast_in_dim3A_6 {strides = array<i32>} : memref<32x1000xf32, #tpu.memory_space<vmem>>, vector<16xf32>,
      %swap3A_115 = arith.index_cast %scan3A_79 : i32 to index
      %swap3A_116 = arith.constant 192 : index
      %swap3A_117 = tpu.vector_load %arg5[%swap3A_115, %swap3A_116] {strides = array<i32>} : memref<32x1000xf32, #tpu.memory_space<vmem>>, vector<16xf32>,
      tpu.vector_store %arg5[%swap3A_115, %swap3A_116], %broadcast_in_dim3A_6 {strides = array<i32>} : memref<32x1000xf32, #tpu.memory_space<vmem>>, vector<16xf32>,
      %swap3A_118 = arith.index_cast %scan3A_79 : i32 to index
      %swap3A_119 = arith.constant 208 : index
      %swap3A_120 = tpu.vector_load %arg5[%swap3A_118, %swap3A_119] {strides = array<i32>} : memref<32x1000xf32, #tpu.memory_space<vmem>>, vector<16xf32>,
      tpu.vector_store %arg5[%swap3A_118, %swap3A_119], %broadcast_in_dim3A_6 {strides = array<i32>} : memref<32x1000xf32, #tpu.memory_space<vmem>>, vector<16xf32>,
      %swap3A_121 = arith.index_cast %scan3A_79 : i32 to index
      %swap3A_122 = arith.constant 224 : index
      %swap3A_123 = tpu.vector_load %arg5[%swap3A_121, %swap3A_122] {strides = array<i32>} : memref<32x1000xf32, #tpu.memory_space<vmem>>, vector<16xf32>,
      tpu.vector_store %arg5[%swap3A_121, %swap3A_122], %broadcast_in_dim3A_6 {strides = array<i32>} : memref<32x1000xf32, #tpu.memory_space<vmem>>, vector<16xf32>,
      %swap3A_124 = arith.index_cast %scan3A_79 : i32 to index
      %swap3A_125 = arith.constant 240 : index
      %swap3A_126 = tpu.vector_load %arg5[%swap3A_124, %swap3A_125] {strides = array<i32>} : memref<32x1000xf32, #tpu.memory_space<vmem>>, vector<16xf32>,
      tpu.vector_store %arg5[%swap3A_124, %swap3A_125], %broadcast_in_dim3A_6 {strides = array<i32>} : memref<32x1000xf32, #tpu.memory_space<vmem>>, vector<16xf32>,
      %swap3A_127 = arith.index_cast %scan3A_79 : i32 to index
      %swap3A_128 = arith.constant 256 : index
      %swap3A_129 = tpu.vector_load %arg5[%swap3A_127, %swap3A_128] {strides = array<i32>} : memref<32x1000xf32, #tpu.memory_space<vmem>>, vector<16xf32>,
      tpu.vector_store %arg5[%swap3A_127, %swap3A_128], %broadcast_in_dim3A_6 {strides = array<i32>} : memref<32x1000xf32, #tpu.memory_space<vmem>>, vector<16xf32>,
      %swap3A_130 = arith.index_cast %scan3A_79 : i32 to index
      %swap3A_131 = arith.constant 272 : index
      %swap3A_132 = tpu.vector_load %arg5[%swap3A_130, %swap3A_131] {strides = array<i32>} : memref<32x1000xf32, #tpu.memory_space<vmem>>, vector<16xf32>,
      tpu.vector_store %arg5[%swap3A_130, %swap3A_131], %broadcast_in_dim3A_6 {strides = array<i32>} : memref<32x1000xf32, #tpu.memory_space<vmem>>, vector<16xf32>,
      %swap3A_133 = arith.index_cast %scan3A_79 : i32 to index
      %swap3A_134 = arith.constant 288 : index
      %swap3A_135 = tpu.vector_load %arg5[%swap3A_133, %swap3A_134] {strides = array<i32>} : memref<32x1000xf32, #tpu.memory_space<vmem>>, vector<16xf32>,
      tpu.vector_store %arg5[%swap3A_133, %swap3A_134], %broadcast_in_dim3A_6 {strides = array<i32>} : memref<32x1000xf32, #tpu.memory_space<vmem>>, vector<16xf32>,
      %swap3A_136 = arith.index_cast %scan3A_79 : i32 to index
      %swap3A_137 = arith.constant 304 : index
      %swap3A_138 = tpu.vector_load %arg5[%swap3A_136, %swap3A_137] {strides = array<i32>} : memref<32x1000xf32, #tpu.memory_space<vmem>>, vector<16xf32>,
      tpu.vector_store %arg5[%swap3A_136, %swap3A_137], %broadcast_in_dim3A_6 {strides = array<i32>} : memref<32x1000xf32, #tpu.memory_space<vmem>>, vector<16xf32>,
      %swap3A_139 = arith.index_cast %scan3A_79 : i32 to index
      %swap3A_140 = arith.constant 320 : index
      %swap3A_141 = tpu.vector_load %arg5[%swap3A_139, %swap3A_140] {strides = array<i32>} : memref<32x1000xf32, #tpu.memory_space<vmem>>, vector<16xf32>,
      tpu.vector_store %arg5[%swap3A_139, %swap3A_140], %broadcast_in_dim3A_6 {strides = array<i32>} : memref<32x1000xf32, #tpu.memory_space<vmem>>, vector<16xf32>,
      %swap3A_142 = arith.index_cast %scan3A_79 : i32 to index
      %swap3A_143 = arith.constant 336 : index
      %swap3A_144 = tpu.vector_load %arg5[%swap3A_142, %swap3A_143] {strides = array<i32>} : memref<32x1000xf32, #tpu.memory_space<vmem>>, vector<16xf32>,
      tpu.vector_store %arg5[%swap3A_142, %swap3A_143], %broadcast_in_dim3A_6 {strides = array<i32>} : memref<32x1000xf32, #tpu.memory_space<vmem>>, vector<16xf32>,
      %swap3A_145 = arith.index_cast %scan3A_79 : i32 to index
      %swap3A_146 = arith.constant 352 : index
      %swap3A_147 = tpu.vector_load %arg5[%swap3A_145, %swap3A_146] {strides = array<i32>} : memref<32x1000xf32, #tpu.memory_space<vmem>>, vector<16xf32>,
      tpu.vector_store %arg5[%swap3A_145, %swap3A_146], %broadcast_in_dim3A_6 {strides = array<i32>} : memref<32x1000xf32, #tpu.memory_space<vmem>>, vector<16xf32>,
      %swap3A_148 = arith.index_cast %scan3A_79 : i32 to index
      %swap3A_149 = arith.constant 368 : index
      %swap3A_150 = tpu.vector_load %arg5[%swap3A_148, %swap3A_149] {strides = array<i32>} : memref<32x1000xf32, #tpu.memory_space<vmem>>, vector<16xf32>,
      tpu.vector_store %arg5[%swap3A_148, %swap3A_149], %broadcast_in_dim3A_6 {strides = array<i32>} : memref<32x1000xf32, #tpu.memory_space<vmem>>, vector<16xf32>,
      %swap3A_151 = arith.index_cast %scan3A_79 : i32 to index
      %swap3A_152 = arith.constant 384 : index
      %swap3A_153 = tpu.vector_load %arg5[%swap3A_151, %swap3A_152] {strides = array<i32>} : memref<32x1000xf32, #tpu.memory_space<vmem>>, vector<16xf32>,
      tpu.vector_store %arg5[%swap3A_151, %swap3A_152], %broadcast_in_dim3A_6 {strides = array<i32>} : memref<32x1000xf32, #tpu.memory_space<vmem>>, vector<16xf32>,
      %swap3A_154 = arith.index_cast %scan3A_79 : i32 to index
      %swap3A_155 = arith.constant 400 : index
      %swap3A_156 = tpu.vector_load %arg5[%swap3A_154, %swap3A_155] {strides = array<i32>} : memref<32x1000xf32, #tpu.memory_space<vmem>>, vector<16xf32>,
      tpu.vector_store %arg5[%swap3A_154, %swap3A_155], %broadcast_in_dim3A_6 {strides = array<i32>} : memref<32x1000xf32, #tpu.memory_space<vmem>>, vector<16xf32>,
      %swap3A_157 = arith.index_cast %scan3A_79 : i32 to index
      %swap3A_158 = arith.constant 416 : index
      %swap3A_159 = tpu.vector_load %arg5[%swap3A_157, %swap3A_158] {strides = array<i32>} : memref<32x1000xf32, #tpu.memory_space<vmem>>, vector<16xf32>,
      tpu.vector_store %arg5[%swap3A_157, %swap3A_158], %broadcast_in_dim3A_6 {strides = array<i32>} : memref<32x1000xf32, #tpu.memory_space<vmem>>, vector<16xf32>,
      %swap3A_160 = arith.index_cast %scan3A_79 : i32 to index
      %swap3A_161 = arith.constant 432 : index
      %swap3A_162 = tpu.vector_load %arg5[%swap3A_160, %swap3A_161] {strides = array<i32>} : memref<32x1000xf32, #tpu.memory_space<vmem>>, vector<16xf32>,
      tpu.vector_store %arg5[%swap3A_160, %swap3A_161], %broadcast_in_dim3A_6 {strides = array<i32>} : memref<32x1000xf32, #tpu.memory_space<vmem>>, vector<16xf32>,
      %swap3A_163 = arith.index_cast %scan3A_79 : i32 to index
      %swap3A_164 = arith.constant 448 : index
      %swap3A_165 = tpu.vector_load %arg5[%swap3A_163, %swap3A_164] {strides = array<i32>} : memref<32x1000xf32, #tpu.memory_space<vmem>>, vector<16xf32>,
      tpu.vector_store %arg5[%swap3A_163, %swap3A_164], %broadcast_in_dim3A_6 {strides = array<i32>} : memref<32x1000xf32, #tpu.memory_space<vmem>>, vector<16xf32>,
      %swap3A_166 = arith.index_cast %scan3A_79 : i32 to index
      %swap3A_167 = arith.constant 464 : index
      %swap3A_168 = tpu.vector_load %arg5[%swap3A_166, %swap3A_167] {strides = array<i32>} : memref<32x1000xf32, #tpu.memory_space<vmem>>, vector<16xf32>,
      tpu.vector_store %arg5[%swap3A_166, %swap3A_167], %broadcast_in_dim3A_6 {strides = array<i32>} : memref<32x1000xf32, #tpu.memory_space<vmem>>, vector<16xf32>,
      %swap3A_169 = arith.index_cast %scan3A_79 : i32 to index
      %swap3A_170 = arith.constant 480 : index
      %swap3A_171 = tpu.vector_load %arg5[%swap3A_169, %swap3A_170] {strides = array<i32>} : memref<32x1000xf32, #tpu.memory_space<vmem>>, vector<16xf32>,
      tpu.vector_store %arg5[%swap3A_169, %swap3A_170], %broadcast_in_dim3A_6 {strides = array<i32>} : memref<32x1000xf32, #tpu.memory_space<vmem>>, vector<16xf32>,
      %swap3A_172 = arith.index_cast %scan3A_79 : i32 to index
      %swap3A_173 = arith.constant 496 : index
      %swap3A_174 = tpu.vector_load %arg5[%swap3A_172, %swap3A_173] {strides = array<i32>} : memref<32x1000xf32, #tpu.memory_space<vmem>>, vector<16xf32>,
      tpu.vector_store %arg5[%swap3A_172, %swap3A_173], %broadcast_in_dim3A_6 {strides = array<i32>} : memref<32x1000xf32, #tpu.memory_space<vmem>>, vector<16xf32>,
      %swap3A_175 = arith.index_cast %scan3A_79 : i32 to index
      %swap3A_176 = arith.constant 512 : index
      %swap3A_177 = tpu.vector_load %arg5[%swap3A_175, %swap3A_176] {strides = array<i32>} : memref<32x1000xf32, #tpu.memory_space<vmem>>, vector<16xf32>,
      tpu.vector_store %arg5[%swap3A_175, %swap3A_176], %broadcast_in_dim3A_6 {strides = array<i32>} : memref<32x1000xf32, #tpu.memory_space<vmem>>, vector<16xf32>,
      %swap3A_178 = arith.index_cast %scan3A_79 : i32 to index
      %swap3A_179 = arith.constant 528 : index
      %swap3A_180 = tpu.vector_load %arg5[%swap3A_178, %swap3A_179] {strides = array<i32>} : memref<32x1000xf32, #tpu.memory_space<vmem>>, vector<16xf32>,
      tpu.vector_store %arg5[%swap3A_178, %swap3A_179], %broadcast_in_dim3A_6 {strides = array<i32>} : memref<32x1000xf32, #tpu.memory_space<vmem>>, vector<16xf32>,
      %swap3A_181 = arith.index_cast %scan3A_79 : i32 to index
      %swap3A_182 = arith.constant 544 : index
      %swap3A_183 = tpu.vector_load %arg5[%swap3A_181, %swap3A_182] {strides = array<i32>} : memref<32x1000xf32, #tpu.memory_space<vmem>>, vector<16xf32>,
      tpu.vector_store %arg5[%swap3A_181, %swap3A_182], %broadcast_in_dim3A_6 {strides = array<i32>} : memref<32x1000xf32, #tpu.memory_space<vmem>>, vector<16xf32>,
      %swap3A_184 = arith.index_cast %scan3A_79 : i32 to index
      %swap3A_185 = arith.constant 560 : index
      %swap3A_186 = tpu.vector_load %arg5[%swap3A_184, %swap3A_185] {strides = array<i32>} : memref<32x1000xf32, #tpu.memory_space<vmem>>, vector<16xf32>,
      tpu.vector_store %arg5[%swap3A_184, %swap3A_185], %broadcast_in_dim3A_6 {strides = array<i32>} : memref<32x1000xf32, #tpu.memory_space<vmem>>, vector<16xf32>,
      %swap3A_187 = arith.index_cast %scan3A_79 : i32 to index
      %swap3A_188 = arith.constant 576 : index
      %swap3A_189 = tpu.vector_load %arg5[%swap3A_187, %swap3A_188] {strides = array<i32>} : memref<32x1000xf32, #tpu.memory_space<vmem>>, vector<16xf32>,
      tpu.vector_store %arg5[%swap3A_187, %swap3A_188], %broadcast_in_dim3A_6 {strides = array<i32>} : memref<32x1000xf32, #tpu.memory_space<vmem>>, vector<16xf32>,
      %swap3A_190 = arith.index_cast %scan3A_79 : i32 to index
      %swap3A_191 = arith.constant 592 : index
      %swap3A_192 = tpu.vector_load %arg5[%swap3A_190, %swap3A_191] {strides = array<i32>} : memref<32x1000xf32, #tpu.memory_space<vmem>>, vector<16xf32>,
      tpu.vector_store %arg5[%swap3A_190, %swap3A_191], %broadcast_in_dim3A_6 {strides = array<i32>} : memref<32x1000xf32, #tpu.memory_space<vmem>>, vector<16xf32>,
      %swap3A_193 = arith.index_cast %scan3A_79 : i32 to index
      %swap3A_194 = arith.constant 608 : index
      %swap3A_195 = tpu.vector_load %arg5[%swap3A_193, %swap3A_194] {strides = array<i32>} : memref<32x1000xf32, #tpu.memory_space<vmem>>, vector<16xf32>,
      tpu.vector_store %arg5[%swap3A_193, %swap3A_194], %broadcast_in_dim3A_6 {strides = array<i32>} : memref<32x1000xf32, #tpu.memory_space<vmem>>, vector<16xf32>,
      %swap3A_196 = arith.index_cast %scan3A_79 : i32 to index
      %swap3A_197 = arith.constant 624 : index
      %swap3A_198 = tpu.vector_load %arg5[%swap3A_196, %swap3A_197] {strides = array<i32>} : memref<32x1000xf32, #tpu.memory_space<vmem>>, vector<16xf32>,
      tpu.vector_store %arg5[%swap3A_196, %swap3A_197], %broadcast_in_dim3A_6 {strides = array<i32>} : memref<32x1000xf32, #tpu.memory_space<vmem>>, vector<16xf32>,
      %swap3A_199 = arith.index_cast %scan3A_79 : i32 to index
      %swap3A_200 = arith.constant 640 : index
      %swap3A_201 = tpu.vector_load %arg5[%swap3A_199, %swap3A_200] {strides = array<i32>} : memref<32x1000xf32, #tpu.memory_space<vmem>>, vector<16xf32>,
      tpu.vector_store %arg5[%swap3A_199, %swap3A_200], %broadcast_in_dim3A_6 {strides = array<i32>} : memref<32x1000xf32, #tpu.memory_space<vmem>>, vector<16xf32>,
      %swap3A_202 = arith.index_cast %scan3A_79 : i32 to index
      %swap3A_203 = arith.constant 656 : index
      %swap3A_204 = tpu.vector_load %arg5[%swap3A_202, %swap3A_203] {strides = array<i32>} : memref<32x1000xf32, #tpu.memory_space<vmem>>, vector<16xf32>,
      tpu.vector_store %arg5[%swap3A_202, %swap3A_203], %broadcast_in_dim3A_6 {strides = array<i32>} : memref<32x1000xf32, #tpu.memory_space<vmem>>, vector<16xf32>,
      %swap3A_205 = arith.index_cast %scan3A_79 : i32 to index
      %swap3A_206 = arith.constant 672 : index
      %swap3A_207 = tpu.vector_load %arg5[%swap3A_205, %swap3A_206] {strides = array<i32>} : memref<32x1000xf32, #tpu.memory_space<vmem>>, vector<16xf32>,
      tpu.vector_store %arg5[%swap3A_205, %swap3A_206], %broadcast_in_dim3A_6 {strides = array<i32>} : memref<32x1000xf32, #tpu.memory_space<vmem>>, vector<16xf32>,
      %swap3A_208 = arith.index_cast %scan3A_79 : i32 to index
      %swap3A_209 = arith.constant 688 : index
      %swap3A_210 = tpu.vector_load %arg5[%swap3A_208, %swap3A_209] {strides = array<i32>} : memref<32x1000xf32, #tpu.memory_space<vmem>>, vector<16xf32>,
      tpu.vector_store %arg5[%swap3A_208, %swap3A_209], %broadcast_in_dim3A_6 {strides = array<i32>} : memref<32x1000xf32, #tpu.memory_space<vmem>>, vector<16xf32>,
      %swap3A_211 = arith.index_cast %scan3A_79 : i32 to index
      %swap3A_212 = arith.constant 704 : index
      %swap3A_213 = tpu.vector_load %arg5[%swap3A_211, %swap3A_212] {strides = array<i32>} : memref<32x1000xf32, #tpu.memory_space<vmem>>, vector<16xf32>,
      tpu.vector_store %arg5[%swap3A_211, %swap3A_212], %broadcast_in_dim3A_6 {strides = array<i32>} : memref<32x1000xf32, #tpu.memory_space<vmem>>, vector<16xf32>,
      %swap3A_214 = arith.index_cast %scan3A_79 : i32 to index
      %swap3A_215 = arith.constant 720 : index
      %swap3A_216 = tpu.vector_load %arg5[%swap3A_214, %swap3A_215] {strides = array<i32>} : memref<32x1000xf32, #tpu.memory_space<vmem>>, vector<16xf32>,
      tpu.vector_store %arg5[%swap3A_214, %swap3A_215], %broadcast_in_dim3A_6 {strides = array<i32>} : memref<32x1000xf32, #tpu.memory_space<vmem>>, vector<16xf32>,
      %swap3A_217 = arith.index_cast %scan3A_79 : i32 to index
      %swap3A_218 = arith.constant 736 : index
      %swap3A_219 = tpu.vector_load %arg5[%swap3A_217, %swap3A_218] {strides = array<i32>} : memref<32x1000xf32, #tpu.memory_space<vmem>>, vector<16xf32>,
      tpu.vector_store %arg5[%swap3A_217, %swap3A_218], %broadcast_in_dim3A_6 {strides = array<i32>} : memref<32x1000xf32, #tpu.memory_space<vmem>>, vector<16xf32>,
      %swap3A_220 = arith.index_cast %scan3A_79 : i32 to index
      %swap3A_221 = arith.constant 752 : index
      %swap3A_222 = tpu.vector_load %arg5[%swap3A_220, %swap3A_221] {strides = array<i32>} : memref<32x1000xf32, #tpu.memory_space<vmem>>, vector<16xf32>,
      tpu.vector_store %arg5[%swap3A_220, %swap3A_221], %broadcast_in_dim3A_6 {strides = array<i32>} : memref<32x1000xf32, #tpu.memory_space<vmem>>, vector<16xf32>,
      %swap3A_223 = arith.index_cast %scan3A_79 : i32 to index
      %swap3A_224 = arith.constant 768 : index
      %swap3A_225 = tpu.vector_load %arg5[%swap3A_223, %swap3A_224] {strides = array<i32>} : memref<32x1000xf32, #tpu.memory_space<vmem>>, vector<16xf32>,
      tpu.vector_store %arg5[%swap3A_223, %swap3A_224], %broadcast_in_dim3A_6 {strides = array<i32>} : memref<32x1000xf32, #tpu.memory_space<vmem>>, vector<16xf32>,
      %swap3A_226 = arith.index_cast %scan3A_79 : i32 to index
      %swap3A_227 = arith.constant 784 : index
      %swap3A_228 = tpu.vector_load %arg5[%swap3A_226, %swap3A_227] {strides = array<i32>} : memref<32x1000xf32, #tpu.memory_space<vmem>>, vector<16xf32>,
      tpu.vector_store %arg5[%swap3A_226, %swap3A_227], %broadcast_in_dim3A_6 {strides = array<i32>} : memref<32x1000xf32, #tpu.memory_space<vmem>>, vector<16xf32>,
      %swap3A_229 = arith.index_cast %scan3A_79 : i32 to index
      %swap3A_230 = arith.constant 800 : index
      %swap3A_231 = tpu.vector_load %arg5[%swap3A_229, %swap3A_230] {strides = array<i32>} : memref<32x1000xf32, #tpu.memory_space<vmem>>, vector<16xf32>,
      tpu.vector_store %arg5[%swap3A_229, %swap3A_230], %broadcast_in_dim3A_6 {strides = array<i32>} : memref<32x1000xf32, #tpu.memory_space<vmem>>, vector<16xf32>,
      %swap3A_232 = arith.index_cast %scan3A_79 : i32 to index
      %swap3A_233 = arith.constant 816 : index
      %swap3A_234 = tpu.vector_load %arg5[%swap3A_232, %swap3A_233] {strides = array<i32>} : memref<32x1000xf32, #tpu.memory_space<vmem>>, vector<16xf32>,
      tpu.vector_store %arg5[%swap3A_232, %swap3A_233], %broadcast_in_dim3A_6 {strides = array<i32>} : memref<32x1000xf32, #tpu.memory_space<vmem>>, vector<16xf32>,
      %swap3A_235 = arith.index_cast %scan3A_79 : i32 to index
      %swap3A_236 = arith.constant 832 : index
      %swap3A_237 = tpu.vector_load %arg5[%swap3A_235, %swap3A_236] {strides = array<i32>} : memref<32x1000xf32, #tpu.memory_space<vmem>>, vector<16xf32>,
      tpu.vector_store %arg5[%swap3A_235, %swap3A_236], %broadcast_in_dim3A_6 {strides = array<i32>} : memref<32x1000xf32, #tpu.memory_space<vmem>>, vector<16xf32>,
      %swap3A_238 = arith.index_cast %scan3A_79 : i32 to index
      %swap3A_239 = arith.constant 848 : index
      %swap3A_240 = tpu.vector_load %arg5[%swap3A_238, %swap3A_239] {strides = array<i32>} : memref<32x1000xf32, #tpu.memory_space<vmem>>, vector<16xf32>,
      tpu.vector_store %arg5[%swap3A_238, %swap3A_239], %broadcast_in_dim3A_6 {strides = array<i32>} : memref<32x1000xf32, #tpu.memory_space<vmem>>, vector<16xf32>,
      %swap3A_241 = arith.index_cast %scan3A_79 : i32 to index
      %swap3A_242 = arith.constant 864 : index
      %swap3A_243 = tpu.vector_load %arg5[%swap3A_241, %swap3A_242] {strides = array<i32>} : memref<32x1000xf32, #tpu.memory_space<vmem>>, vector<16xf32>,
      tpu.vector_store %arg5[%swap3A_241, %swap3A_242], %broadcast_in_dim3A_6 {strides = array<i32>} : memref<32x1000xf32, #tpu.memory_space<vmem>>, vector<16xf32>,
      %swap3A_244 = arith.index_cast %scan3A_79 : i32 to index
      %swap3A_245 = arith.constant 880 : index
      %swap3A_246 = tpu.vector_load %arg5[%swap3A_244, %swap3A_245] {strides = array<i32>} : memref<32x1000xf32, #tpu.memory_space<vmem>>, vector<16xf32>,
      tpu.vector_store %arg5[%swap3A_244, %swap3A_245], %broadcast_in_dim3A_6 {strides = array<i32>} : memref<32x1000xf32, #tpu.memory_space<vmem>>, vector<16xf32>,
      %swap3A_247 = arith.index_cast %scan3A_79 : i32 to index
      %swap3A_248 = arith.constant 896 : index
      %swap3A_249 = tpu.vector_load %arg5[%swap3A_247, %swap3A_248] {strides = array<i32>} : memref<32x1000xf32, #tpu.memory_space<vmem>>, vector<16xf32>,
      tpu.vector_store %arg5[%swap3A_247, %swap3A_248], %broadcast_in_dim3A_6 {strides = array<i32>} : memref<32x1000xf32, #tpu.memory_space<vmem>>, vector<16xf32>,
      %swap3A_250 = arith.index_cast %scan3A_79 : i32 to index
      %swap3A_251 = arith.constant 912 : index
      %swap3A_252 = tpu.vector_load %arg5[%swap3A_250, %swap3A_251] {strides = array<i32>} : memref<32x1000xf32, #tpu.memory_space<vmem>>, vector<16xf32>,
      tpu.vector_store %arg5[%swap3A_250, %swap3A_251], %broadcast_in_dim3A_6 {strides = array<i32>} : memref<32x1000xf32, #tpu.memory_space<vmem>>, vector<16xf32>,
      %swap3A_253 = arith.index_cast %scan3A_79 : i32 to index
      %swap3A_254 = arith.constant 928 : index
      %swap3A_255 = tpu.vector_load %arg5[%swap3A_253, %swap3A_254] {strides = array<i32>} : memref<32x1000xf32, #tpu.memory_space<vmem>>, vector<16xf32>,
      tpu.vector_store %arg5[%swap3A_253, %swap3A_254], %broadcast_in_dim3A_6 {strides = array<i32>} : memref<32x1000xf32, #tpu.memory_space<vmem>>, vector<16xf32>,
      %swap3A_256 = arith.index_cast %scan3A_79 : i32 to index
      %swap3A_257 = arith.constant 944 : index
      %swap3A_258 = tpu.vector_load %arg5[%swap3A_256, %swap3A_257] {strides = array<i32>} : memref<32x1000xf32, #tpu.memory_space<vmem>>, vector<16xf32>,
      tpu.vector_store %arg5[%swap3A_256, %swap3A_257], %broadcast_in_dim3A_6 {strides = array<i32>} : memref<32x1000xf32, #tpu.memory_space<vmem>>, vector<16xf32>,
      %swap3A_259 = arith.index_cast %scan3A_79 : i32 to index
      %swap3A_260 = arith.constant 960 : index
      %swap3A_261 = tpu.vector_load %arg5[%swap3A_259, %swap3A_260] {strides = array<i32>} : memref<32x1000xf32, #tpu.memory_space<vmem>>, vector<16xf32>,
      tpu.vector_store %arg5[%swap3A_259, %swap3A_260], %broadcast_in_dim3A_6 {strides = array<i32>} : memref<32x1000xf32, #tpu.memory_space<vmem>>, vector<16xf32>,
      %swap3A_262 = arith.index_cast %scan3A_79 : i32 to index
      %swap3A_263 = arith.constant 976 : index
      %swap3A_264 = tpu.vector_load %arg5[%swap3A_262, %swap3A_263] {strides = array<i32>} : memref<32x1000xf32, #tpu.memory_space<vmem>>, vector<16xf32>,
      tpu.vector_store %arg5[%swap3A_262, %swap3A_263], %broadcast_in_dim3A_6 {strides = array<i32>} : memref<32x1000xf32, #tpu.memory_space<vmem>>, vector<16xf32>,
      %swap3A_265 = arith.index_cast %scan3A_79 : i32 to index
      %swap3A_266 = arith.constant 984 : index
      %swap3A_267 = tpu.vector_load %arg5[%swap3A_265, %swap3A_266] {strides = array<i32>} : memref<32x1000xf32, #tpu.memory_space<vmem>>, vector<16xf32>,
      tpu.vector_store %arg5[%swap3A_265, %swap3A_266], %broadcast_in_dim3A_6 {strides = array<i32>} : memref<32x1000xf32, #tpu.memory_space<vmem>>, vector<16xf32>,
    }
    %scan3A_17 = arith.constant 32 : i32
    %dma_wait3A = arith.constant 0 : i32
    %dma_wait3A_18 = tpu.memref_slice %arg2[%mul3A_2, %dma_wait3A] : memref<1024x50xi32, #tpu.memory_space<hbm>> -> memref<32x50xi32, #tpu.memory_space<hbm>>
    %dma_wait3A_19 = arith.constant 0 : i32
    %dma_wait3A_20 = tpu.memref_slice %arg2[%mul3A_2, %dma_wait3A_19] : memref<1024x50xi32, #tpu.memory_space<hbm>> -> memref<32x50xi32, #tpu.memory_space<hbm>>
    tpu.wait_dma2 semaphore(%arg6 : memref<!tpu.dma_semaphore, #tpu.memory_space<semaphore_mem>>) src(%dma_wait3A_20 : memref<32x50xi32, #tpu.memory_space<hbm>>) dst(%arg4 : memref<32x50xi32, #tpu.memory_space<vmem>>)
    %scan3A_21 = arith.constant 0 : i32
    %scan3A_22 = arith.constant 16 : i32
    %scan3A_23 = arith.addi %scan3A_21, %scan3A_22 : i32
    %scan3A_24 = arith.constant 1 : i32
    scf.for %scan3A_79 = %scan3A_21 to %scan3A_23 step %scan3A_24  : i32 {
      %broadcast_in_dim3A_80 = vector.broadcast %scan3A_79 : i32 to vector<16xi32>
      %get3A = arith.index_cast %scan3A_79 : i32 to index
      %get3A_81 = arith.constant 0 : index
      %get3A_82 = tpu.vector_load %arg4[%get3A, %get3A_81] {strides = array<i32>} : memref<32x50xi32, #tpu.memory_space<vmem>>, vector<16xi32>,
      tpu.vector_store_idx %arg5[%broadcast_in_dim3A_80, %get3A_82], %broadcast_in_dim3A_8 masked %ge3A_13 {add = true} : memref<32x1000xf32, #tpu.memory_space<vmem>>[vector<16xi32>, vector<16xi32>], vector<16xf32>, vector<16xi1>
      %get3A_83 = arith.index_cast %scan3A_79 : i32 to index
      %get3A_84 = arith.constant 16 : index
      %get3A_85 = tpu.vector_load %arg4[%get3A_83, %get3A_84] {strides = array<i32>} : memref<32x50xi32, #tpu.memory_space<vmem>>, vector<16xi32>,
      tpu.vector_store_idx %arg5[%broadcast_in_dim3A_80, %get3A_85], %broadcast_in_dim3A_8 masked %ge3A_13 {add = true} : memref<32x1000xf32, #tpu.memory_space<vmem>>[vector<16xi32>, vector<16xi32>], vector<16xf32>, vector<16xi1>
      %get3A_86 = arith.index_cast %scan3A_79 : i32 to index
      %get3A_87 = arith.constant 32 : index
      %get3A_88 = tpu.vector_load %arg4[%get3A_86, %get3A_87] {strides = array<i32>} : memref<32x50xi32, #tpu.memory_space<vmem>>, vector<16xi32>,
      tpu.vector_store_idx %arg5[%broadcast_in_dim3A_80, %get3A_88], %broadcast_in_dim3A_8 masked %ge3A_13 {add = true} : memref<32x1000xf32, #tpu.memory_space<vmem>>[vector<16xi32>, vector<16xi32>], vector<16xf32>, vector<16xi1>
      %get3A_89 = arith.index_cast %scan3A_79 : i32 to index
      %get3A_90 = arith.constant 34 : index
      %get3A_91 = tpu.vector_load %arg4[%get3A_89, %get3A_90] {strides = array<i32>} : memref<32x50xi32, #tpu.memory_space<vmem>>, vector<16xi32>,
      tpu.vector_store_idx %arg5[%broadcast_in_dim3A_80, %get3A_91], %broadcast_in_dim3A_8 masked %ge3A_10 {add = true} : memref<32x1000xf32, #tpu.memory_space<vmem>>[vector<16xi32>, vector<16xi32>], vector<16xf32>, vector<16xi1>
    }
    %scan3A_25 = arith.constant 16 : i32
    %add3A_26 = arith.constant 0 : i32
    %add3A_27 = arith.addi %mul3A_2, %add3A_26 : i32
    %dma_start3A_28 = arith.constant 0 : i32
    %dma_start3A_29 = arith.constant 0 : i32
    %dma_start3A_30 = tpu.memref_slice %arg5[%dma_start3A_28, %dma_start3A_29] : memref<32x1000xf32, #tpu.memory_space<vmem>> -> memref<16x1000xf32, #tpu.memory_space<vmem>>
    %dma_start3A_31 = arith.constant 0 : i32
    %dma_start3A_32 = tpu.memref_slice %arg3[%add3A_27, %dma_start3A_31] : memref<1024x1000xf32, #tpu.memory_space<hbm>> -> memref<16x1000xf32, #tpu.memory_space<hbm>>
    %dma_start3A_33 = arith.constant 0 : i32
    %dma_start3A_34 = tpu.memref_slice %arg3[%add3A_27, %dma_start3A_33] : memref<1024x1000xf32, #tpu.memory_space<hbm>> -> memref<16x1000xf32, #tpu.memory_space<hbm>>
    %dma_start3A_35 = arith.constant 0 : i32
    %dma_start3A_36 = arith.constant 0 : i32
    %dma_start3A_37 = tpu.memref_slice %arg5[%dma_start3A_35, %dma_start3A_36] : memref<32x1000xf32, #tpu.memory_space<vmem>> -> memref<16x1000xf32, #tpu.memory_space<vmem>>
    tpu.enqueue_dma source(%dma_start3A_37 : memref<16x1000xf32, #tpu.memory_space<vmem>>) target(%dma_start3A_34 : memref<16x1000xf32, #tpu.memory_space<hbm>>) target_semaphore(%arg7 : memref<!tpu.dma_semaphore, #tpu.memory_space<semaphore_mem>>)
    %scan3A_38 = arith.constant 16 : i32
    %scan3A_39 = arith.constant 16 : i32
    %scan3A_40 = arith.addi %scan3A_38, %scan3A_39 : i32
    %scan3A_41 = arith.constant 1 : i32
    scf.for %scan3A_79 = %scan3A_38 to %scan3A_40 step %scan3A_41  : i32 {
      %broadcast_in_dim3A_80 = vector.broadcast %scan3A_79 : i32 to vector<16xi32>
      %get3A = arith.index_cast %scan3A_79 : i32 to index
      %get3A_81 = arith.constant 0 : index
      %get3A_82 = tpu.vector_load %arg4[%get3A, %get3A_81] {strides = array<i32>} : memref<32x50xi32, #tpu.memory_space<vmem>>, vector<16xi32>,
      tpu.vector_store_idx %arg5[%broadcast_in_dim3A_80, %get3A_82], %broadcast_in_dim3A_8 masked %ge3A_13 {add = true} : memref<32x1000xf32, #tpu.memory_space<vmem>>[vector<16xi32>, vector<16xi32>], vector<16xf32>, vector<16xi1>
      %get3A_83 = arith.index_cast %scan3A_79 : i32 to index
      %get3A_84 = arith.constant 16 : index
      %get3A_85 = tpu.vector_load %arg4[%get3A_83, %get3A_84] {strides = array<i32>} : memref<32x50xi32, #tpu.memory_space<vmem>>, vector<16xi32>,
      tpu.vector_store_idx %arg5[%broadcast_in_dim3A_80, %get3A_85], %broadcast_in_dim3A_8 masked %ge3A_13 {add = true} : memref<32x1000xf32, #tpu.memory_space<vmem>>[vector<16xi32>, vector<16xi32>], vector<16xf32>, vector<16xi1>
      %get3A_86 = arith.index_cast %scan3A_79 : i32 to index
      %get3A_87 = arith.constant 32 : index
      %get3A_88 = tpu.vector_load %arg4[%get3A_86, %get3A_87] {strides = array<i32>} : memref<32x50xi32, #tpu.memory_space<vmem>>, vector<16xi32>,
      tpu.vector_store_idx %arg5[%broadcast_in_dim3A_80, %get3A_88], %broadcast_in_dim3A_8 masked %ge3A_13 {add = true} : memref<32x1000xf32, #tpu.memory_space<vmem>>[vector<16xi32>, vector<16xi32>], vector<16xf32>, vector<16xi1>
      %get3A_89 = arith.index_cast %scan3A_79 : i32 to index
      %get3A_90 = arith.constant 34 : index
      %get3A_91 = tpu.vector_load %arg4[%get3A_89, %get3A_90] {strides = array<i32>} : memref<32x50xi32, #tpu.memory_space<vmem>>, vector<16xi32>,
      tpu.vector_store_idx %arg5[%broadcast_in_dim3A_80, %get3A_91], %broadcast_in_dim3A_8 masked %ge3A_10 {add = true} : memref<32x1000xf32, #tpu.memory_space<vmem>>[vector<16xi32>, vector<16xi32>], vector<16xf32>, vector<16xi1>
    }
    %scan3A_42 = arith.constant 16 : i32
    %add3A_43 = arith.constant 16 : i32
    %add3A_44 = arith.addi %mul3A_2, %add3A_43 : i32
    %dma_start3A_45 = arith.constant 16 : i32
    %dma_start3A_46 = arith.constant 0 : i32
    %dma_start3A_47 = tpu.memref_slice %arg5[%dma_start3A_45, %dma_start3A_46] : memref<32x1000xf32, #tpu.memory_space<vmem>> -> memref<16x1000xf32, #tpu.memory_space<vmem>>
    %dma_start3A_48 = arith.constant 0 : i32
    %dma_start3A_49 = tpu.memref_slice %arg3[%add3A_44, %dma_start3A_48] : memref<1024x1000xf32, #tpu.memory_space<hbm>> -> memref<16x1000xf32, #tpu.memory_space<hbm>>
    %dma_start3A_50 = arith.constant 0 : i32
    %dma_start3A_51 = tpu.memref_slice %arg3[%add3A_44, %dma_start3A_50] : memref<1024x1000xf32, #tpu.memory_space<hbm>> -> memref<16x1000xf32, #tpu.memory_space<hbm>>
    %dma_start3A_52 = arith.constant 16 : i32
    %dma_start3A_53 = arith.constant 0 : i32
    %dma_start3A_54 = tpu.memref_slice %arg5[%dma_start3A_52, %dma_start3A_53] : memref<32x1000xf32, #tpu.memory_space<vmem>> -> memref<16x1000xf32, #tpu.memory_space<vmem>>
    tpu.enqueue_dma source(%dma_start3A_54 : memref<16x1000xf32, #tpu.memory_space<vmem>>) target(%dma_start3A_51 : memref<16x1000xf32, #tpu.memory_space<hbm>>) target_semaphore(%arg7 : memref<!tpu.dma_semaphore, #tpu.memory_space<semaphore_mem>>)
    %add3A_55 = arith.constant 0 : i32
    %add3A_56 = arith.addi %mul3A_2, %add3A_55 : i32
    %dma_wait3A_57 = arith.constant 0 : i32
    %dma_wait3A_58 = arith.constant 0 : i32
    %dma_wait3A_59 = tpu.memref_slice %arg5[%dma_wait3A_57, %dma_wait3A_58] : memref<32x1000xf32, #tpu.memory_space<vmem>> -> memref<16x1000xf32, #tpu.memory_space<vmem>>
    %dma_wait3A_60 = arith.constant 0 : i32
    %dma_wait3A_61 = tpu.memref_slice %arg3[%add3A_56, %dma_wait3A_60] : memref<1024x1000xf32, #tpu.memory_space<hbm>> -> memref<16x1000xf32, #tpu.memory_space<hbm>>
    %dma_wait3A_62 = arith.constant 0 : i32
    %dma_wait3A_63 = tpu.memref_slice %arg3[%add3A_56, %dma_wait3A_62] : memref<1024x1000xf32, #tpu.memory_space<hbm>> -> memref<16x1000xf32, #tpu.memory_space<hbm>>
    %dma_wait3A_64 = arith.constant 0 : i32
    %dma_wait3A_65 = arith.constant 0 : i32
    %dma_wait3A_66 = tpu.memref_slice %arg5[%dma_wait3A_64, %dma_wait3A_65] : memref<32x1000xf32, #tpu.memory_space<vmem>> -> memref<16x1000xf32, #tpu.memory_space<vmem>>
    tpu.wait_dma2 semaphore(%arg7 : memref<!tpu.dma_semaphore, #tpu.memory_space<semaphore_mem>>) src(%dma_wait3A_66 : memref<16x1000xf32, #tpu.memory_space<vmem>>) dst(%dma_wait3A_63 : memref<16x1000xf32, #tpu.memory_space<hbm>>)
    %add3A_67 = arith.constant 16 : i32
    %add3A_68 = arith.addi %mul3A_2, %add3A_67 : i32
    %dma_wait3A_69 = arith.constant 16 : i32
    %dma_wait3A_70 = arith.constant 0 : i32
    %dma_wait3A_71 = tpu.memref_slice %arg5[%dma_wait3A_69, %dma_wait3A_70] : memref<32x1000xf32, #tpu.memory_space<vmem>> -> memref<16x1000xf32, #tpu.memory_space<vmem>>
    %dma_wait3A_72 = arith.constant 0 : i32
    %dma_wait3A_73 = tpu.memref_slice %arg3[%add3A_68, %dma_wait3A_72] : memref<1024x1000xf32, #tpu.memory_space<hbm>> -> memref<16x1000xf32, #tpu.memory_space<hbm>>
    %dma_wait3A_74 = arith.constant 0 : i32
    %dma_wait3A_75 = tpu.memref_slice %arg3[%add3A_68, %dma_wait3A_74] : memref<1024x1000xf32, #tpu.memory_space<hbm>> -> memref<16x1000xf32, #tpu.memory_space<hbm>>
    %dma_wait3A_76 = arith.constant 16 : i32
    %dma_wait3A_77 = arith.constant 0 : i32
    %dma_wait3A_78 = tpu.memref_slice %arg5[%dma_wait3A_76, %dma_wait3A_77] : memref<32x1000xf32, #tpu.memory_space<vmem>> -> memref<16x1000xf32, #tpu.memory_space<vmem>>
    tpu.wait_dma2 semaphore(%arg7 : memref<!tpu.dma_semaphore, #tpu.memory_space<semaphore_mem>>) src(%dma_wait3A_78 : memref<16x1000xf32, #tpu.memory_space<vmem>>) dst(%dma_wait3A_75 : memref<16x1000xf32, #tpu.memory_space<hbm>>)
    return
  }
}

</mosaic_0001>

<sc_bundles>
// kernel: kernel.3.cloned.1.call-start
scs
__scs_entry_jumppad:
0x0: {  	(pc) =	sbr.rel $0x88, $3  }
0x1: {  	(tag) =	ssettag $0x0;
	lr =	simm.s32 $0x1  }
0x2: {  	[smem:$0x3FA0] =	sst lr;
	_ =	strace $0xD0000000  }
0x3: {  	_ = 	snop  }
0x4: {  	_ = 	snop  }
0x5: {  	_ = 	snop  }
0x6: {  	_ = 	snop  }
0x7: {  	_ = 	snop  }
__scs_overlays_trampoline_lowered:
0x8: {  	[smem:$0x3FAF] =	sst s0  }
0x9: {  	[smem:$0x3FB0] =	sst s1  }
0xa: {  	[smem:$0x3FB1] =	sst s2  }
0xb: {  	[smem:$0x3FB2] =	sst s3  }
0xc: {  	[smem:$0x3FB3] =	sst s4  }
0xd: {  	[smem:$0x3FB4] =	sst s5  }
0xe: {  	[smem:$0x3FB5] =	sst s6  }
0xf: {  	[smem:$0x3FB6] =	sst s7  }
0x10: {  	[smem:$0x3FB7] =	sst s8  }
0x11: {  	[smem:$0x3FB8] =	sst s9;
	s0 =	simm.s32 @!p0 $0x0  }
0x12: {  	s1 =	sld [smem:$0x3F9E];
	s0 =	simm.s32 @p0 $0x1  }
0x13: {  	[smem:$0x3FB9] =	sst s0;
	s0 =	simm.s32 @!p1 $0x0  }
0x14: {  	s2 =	sld [smem:$0x3F9D];
	s0 =	simm.s32 @p1 $0x1  }
0x15: {  	[smem:$0x3FBA] =	sst s0;
	s0 =	simm.s32 @!p2 $0x0  }
0x16: {  	s3 =	sld [smem:$0x3FDB];
	s0 =	simm.s32 @p2 $0x1  }
0x17: {  	s4 =	simm.s32 $0x1BF5;
	[smem:$0x3FBC] =	sst s0  }
0x18: {  	s0 =	sld [smem:$0x3F9F];
	_ =	swait.ge [sflag:s4], $0x0  }
0x19: {  	s7 =	sld [smem:$0x3FA0]  }
0x1a: {  	s8 =	sadd.s32 $0xFFFFE003, lr  }
0x1b: {  	s9 =	sadd.s32 $0xFFFFFEF7, lr;
	s5 =	simm.s32 $0xFFFFFFFF;
	p2 =	slt.u32 s8, $0xFFFFF086  }
0x1c: {  	p1 =	slt.u32 s9, $0xF7A;
	s5 =	simm.s32 @!p2 $0x0  }
0x1d: {  	s5 =	simm.s32 @p1 $0x1;
	p0 =	seq.s32 s7, s2  }
0x1e: {  	s7 =	smul.u32 @!p0 $0xF7A, s2;
	p2 =	seq.s32 @!p0 s5, $0x0  }
0x1f: {  	s9 =	smul.u32 $0xF7A, s1;
	s8 =	simm.s32 @!p0 $0x1BF5;
	p2 =	por !p2, p0  }
0x20: {  	[sflag:s8] =	ssyncset.s32 @!p0 $0xFFFFF086;
	s6 =	sadd.s32 @!p0 s3, s7;
	s7 =	simm.s32 @!p0 $0x108  }
0x21: {  	s3 =	sadd.s32 s3, s9;
	s6 =	sadd.s32 @!p0 $0x88, s6;
	s7 =	simm.s32 @p2 $0x1082  }
0x22: {  	[simem:s7], [sflag:s8] =	dma.local @!p0 [hbm:s6], $0xF7A  }
0x23: {  	s9 =	sor.u32 $0xD0000000, s2;
	s6 =	simm.s32 $0x108;
	_ =	swait.ge @!p0 [sflag:s8], $0x0  }
0x24: {  	s3 =	sadd.s32 $0x88, s3;
	s6 =	simm.s32 @!p1 $0x1082;
	[sflag:s4] =	ssyncset.s32 $0xFFFFF086  }
0x25: {  	[simem:s6], [sflag:s4] =	dma.local [hbm:s3], $0xF7A  }
0x26: {  	[smem:$0x3FA0] =	sst s1;
	(tag) =	ssettag s2;
	_ =	strace s9  }
0x27: {  	s1 =	sld [smem:$0x3FB0]  }
0x28: {  	s2 =	sld [smem:$0x3FB1]  }
0x29: {  	s4 =	sld [smem:$0x3FB3]  }
0x2a: {  	p0 =	seq.s32 s5, $0x0;
	s5 =	sld [smem:$0x3FB4]  }
0x2b: {  	s6 =	sld [smem:$0x3FB5]  }
0x2c: {  	s7 =	sld [smem:$0x3FB6]  }
0x2d: {  	s3 =	simm.s32 $0x108;
	s8 =	sld [smem:$0x3FB7]  }
0x2e: {  	s3 =	simm.s32 @!p0 $0x1082;
	s9 =	sld [smem:$0x3FB8]  }
0x2f: {  	lr =	sadd.s32 s0, s3;
	s0 =	sld [smem:$0x3FAF]  }
0x30: {  	s3 =	sld [smem:$0x3FB2]  }
0x31: {  	[smem:$0x3FBB] =	sst s10  }
0x32: {  	s10 =	sld [smem:$0x3FB9];
	_ =	sdelay $0x3  }
0x33: {  	p0 =	seq.s32 s10, $0x1;
	s10 =	sld [smem:$0x3FBB];
	_ =	sdelay $0x3  }
0x34: {  	[smem:$0x3FBB] =	sst s10  }
0x35: {  	s10 =	sld [smem:$0x3FBA];
	_ =	sdelay $0x3  }
0x36: {  	p1 =	seq.s32 s10, $0x1;
	s10 =	sld [smem:$0x3FBB];
	_ =	sdelay $0x3  }
0x37: {  	[smem:$0x3FBB] =	sst s10  }
0x38: {  	s10 =	sld [smem:$0x3FBC]  }
0x39: {  	_ = 	snop;
	(pc) =	sbr.ind lr, $3  }
0x3a: {  	_ = 	snop  }
0x3b: {  	_ = 	snop  }
0x3c: {  	p2 =	seq.s32 s10, $0x1;
	s10 =	sld [smem:$0x3FBB]  }
0x3d: {  	_ =	shalt  }
0x3e: {  	_ =	shalt  }
0x3f: {  	_ =	shalt  }
0x40: {  	_ =	shalt  }
0x41: {  	_ =	shalt  }
0x42: {  	_ =	shalt  }
0x43: {  	_ =	shalt  }
0x44: {  	_ =	shalt  }
0x45: {  	_ =	shalt  }
0x46: {  	_ =	shalt  }
0x47: {  	_ =	shalt  }
0x48: {  	_ =	shalt  }
0x49: {  	_ =	shalt  }
0x4a: {  	_ =	shalt  }
0x4b: {  	_ =	shalt  }
0x4c: {  	_ =	shalt  }
0x4d: {  	_ =	shalt  }
0x4e: {  	_ =	shalt  }
0x4f: {  	_ =	shalt  }
0x50: {  	_ =	shalt  }
0x51: {  	_ =	shalt  }
0x52: {  	_ =	shalt  }
0x53: {  	_ =	shalt  }
0x54: {  	_ =	shalt  }
0x55: {  	_ =	shalt  }
0x56: {  	_ =	shalt  }
0x57: {  	_ =	shalt  }
0x58: {  	_ =	shalt  }
0x59: {  	_ =	shalt  }
0x5a: {  	_ =	shalt  }
0x5b: {  	_ =	shalt  }
0x5c: {  	_ =	shalt  }
0x5d: {  	_ =	shalt  }
0x5e: {  	_ =	shalt  }
0x5f: {  	_ =	shalt  }
0x60: {  	_ =	shalt  }
0x61: {  	_ =	shalt  }
0x62: {  	_ =	shalt  }
0x63: {  	_ =	shalt  }
0x64: {  	_ =	shalt  }
0x65: {  	_ =	shalt  }
0x66: {  	_ =	shalt  }
0x67: {  	_ =	shalt  }
0x68: {  	_ =	shalt  }
0x69: {  	_ =	shalt  }
0x6a: {  	_ =	shalt  }
0x6b: {  	_ =	shalt  }
0x6c: {  	_ =	shalt  }
0x6d: {  	_ =	shalt  }
0x6e: {  	_ =	shalt  }
0x6f: {  	_ =	shalt  }
0x70: {  	_ =	shalt  }
0x71: {  	_ =	shalt  }
0x72: {  	_ =	shalt  }
0x73: {  	_ =	shalt  }
0x74: {  	_ =	shalt  }
0x75: {  	_ =	shalt  }
0x76: {  	_ =	shalt  }
0x77: {  	_ =	shalt  }
0x78: {  	_ =	shalt  }
0x79: {  	_ =	shalt  }
0x7a: {  	_ =	shalt  }
0x7b: {  	_ =	shalt  }
0x7c: {  	_ =	shalt  }
0x7d: {  	_ =	shalt  }
0x7e: {  	_ =	shalt  }
0x7f: {  	_ =	shalt  }
0x80: {  	_ =	shalt  }
0x81: {  	_ =	shalt  }
0x82: {  	_ =	shalt  }
0x83: {  	_ =	shalt  }
0x84: {  	_ =	shalt  }
0x85: {  	_ =	shalt  }
0x86: {  	_ =	shalt  }
0x87: {  	_ =	shalt  }
.Lfunc_end0:
.L_simem_size_0:
called_computation_lowered:
.L_overlay_start_0:
0x88: {  	s2 =	sld [smem:$0x3FD9]  }
0x89: {  	s3 =	sld [smem:$0x3FFE];
	_ =	sdelay $0x1  }
0x8a: {  	s1 =	srdreg.scid  }
0x8b: {  	s0 =	sand.u32 $0x1, s1  }
0x8c: {  	s17 =	sshll.u32 s0, $0xA;
	s2 =	sadd.s32 s3, s2  }
0x8d: {  	s2 =	sadd.s32 s2, s17  }
0x8e: {  	[smem:$0x3FC7] =	sst s2  }
0x8f: {  	_ = 	snop  }
0x90: {  	s2 =	sld [smem:$0x3FD0];
	(tm) =	ssettm $0x1  }
0x91: {  	s18 =	sld [smem:$0x3FFB];
	_ =	sdelay $0x3  }
0x92: {  	_ =	strace s18  }
0x93: {  	s3 =	sld [smem:$0x3FFC];
	_ =	sdelay $0x3  }
0x94: {  	_ =	strace s3  }
0x95: {  	s3 =	sld [smem:$0x3FFD];
	_ =	sdelay $0x3  }
0x96: {  	_ =	strace s3  }
0x97: {  	_ =	strace $0x8FFFFFFF  }
0x98: {  	s19 =	sld [smem:$0x3FDB];
	_ =	sdelay $0x1  }
0x99: {  	s4 =	simm.s32 $_scs_section_size  }
0x9a: {  	s5 =	simm.s32 $_size__tile_overlayer_lowered;
	s6 =	simm.s32 $_tile_overlayer_lowered  }
0x9b: {  	s22 =	simm.s32 $0x1BFF;
	s21 =	sshll.u32 s6, $0x1;
	s3 =	sadd.s32 s4, s19  }
0x9c: {  	s7 =	simm.s32 $0x0;
	s20 =	sshll.u32 s5, $0x1;
	s5 =	sadd.s32 s21, s3  }
0x9d: {  	[timem:s7], [sflag:s22] =	dma.local [hbm:s5], s20  }
0x9e: {  	_ =	swait.ge [sflag:s22], s20  }
0x9f: {  	s4 =	ssub.s32 $0x0, s20;
	[sflag:s22] =	ssyncset.done $0x0  }
0xa0: {  	[sflag:s22] =	ssyncadd.s32 s4;
	_ =	sdelay $0x1  }
0xa1: {  	s23 =	simm.s32 $0x1B8B  }
0xa2: {  	_ =	swait.ge [sflag:s23], $0x1  }
0xa3: {  	[sflag:s23] =	ssyncset.done $0x0  }
0xa4: {  	s25 =	simm.s32 $0x1B8E;
	s24 =	sld [smem:$0x3FFE];
	[sflag:s23] =	ssyncadd.s32 $0xFFFFFFFF  }
0xa5: {  	s26 =	simm.s32 $execute0_lowered;
	[smem:$0x3FD2] =	sst s25  }
0xa6: {  	s5 =	sshll.u32 s26, $0x1;
	_ =	strace $0x80000046;
	[dreg:$0x1] =	wrdreg $0xFFFFFFFF  }
0xa7: {  	s28 =	simm.s32 $_size_execute0_lowered;
	s3 =	sadd.s32 s3, s5;
	[dreg:$0x0] =	wrdreg $0x0  }
0xa8: {  	s5 =	sshll.u32 s28, $0x1;
	[dreg:$0x2] =	wrdreg s3  }
0xa9: {  	[dreg:$0x3] =	wrdreg s5  }
0xaa: {  	[dreg:$0x4] =	wrdreg $0xC0  }
0xab: {  	_ =	task [dreg:s7], $0x5FFFF  }
0xac: {  	[dreg:$0x1] =	wrdreg $0xFFFFFFFF  }
0xad: {  	[dreg:$0x0] =	wrdreg $0x60  }
0xae: {  	[dreg:$0x2] =	wrdreg s2  }
0xaf: {  	[dreg:$0x3] =	wrdreg s24  }
0xb0: {  	[dreg:$0x4] =	wrdreg $0x9  }
0xb1: {  	_ =	task.clear_ibuf [dreg:s7], $0x5FFFF;
	_ =	strace $0x90000046  }
0xb2: {  	s29 =	simm.s32 $0x9;
	_ =	strace $0x80000048  }
0xb3: {  	_ =	swait.ge [sflag:s29], $0x1  }
0xb4: {  	[sflag:s29] =	ssyncadd.s32 $0xFFFFFFFF  }
0xb5: {  	_ =	strace $0x90000048  }
0xb6: {  	_ =	sfence  }
0xb7: {  	s30 =	sld [smem:$0x0];
	_ =	sdelay $0x2  }
0xb8: {  	s31 =	sshll.u32 s1, $0xD;
	s1 =	sshrl.u32 s1, $0x2  }
0xb9: {  	s3 =	sand.u32 $0x4000, s31;
	s1 =	sadd.s32 s1, s30  }
0xba: {  	s0 =	sor.u32 s3, s0;
	s1 =	sshll.u32 s1, $0x11  }
0xbb: {  	s0 =	sor.u32 s1, s0  }
0xbc: {  	s0 =	sadd.s32 $0x8F2B, s0  }
0xbd: {  	[sflag:s0] =	ssyncadd.remote.s32 $0x1  }
0xbe: {  	_ =	sfence.sel $0xFFFF  }
0xbf: {  	[dreg:$0x0] =	wrdreg $0xFFFFFFFF;
	(pc) =	sbr.abs _section_cstart, $3  }
0xc0: {  	[dreg:$0x1] =	wrdreg $0xFFFFFFFF  }
0xc1: {  	_ =	task.clear_ibuf [dreg:s7], $0x2FFFF;
	_ =	strace $0x9FFFFFFF  }
0xc2: {  	(tm) =	ssettm $0x7FFFFFFF  }
0xc3: {  	_ =	shalt  }
tec
execute0_lowered:
.L_overlay_start_1:
0x0: {  	(tag) =	ssettag $0x1  }
0x1: {  	s3 =	rddreg [dreg:$0x0]  }
0x2: {  	s4 =	rddreg [dreg:$0x1];
	s2 =	srdreg.scid  }
0x3: {  	s0 =	rddreg [dreg:$0x2];
	s1 =	stileid.u32;
	s9 =	simm.s32 $0x5000  }
0x4: {  	s10 =	simm.s32 $0x2;
	s11 =	simm.s32 $0x0;
	s5 =	sand.u32 $0x1, s2  }
0x5: {  	s2 =	simm.s32 $0x0;
	s7 =	sshll.u32 s1, $0x5;
	s6 =	sshll.u32 s5, $0x9  }
0x6: {  	[smem:$0x7FF] =	sst s2;
	s5 =	ssub.s32 $0x2, s5;
	s6 =	sor.u32 s7, s6  }
0x7: {  	_ =	strace $0x80000047;
	s8 =	sshrl.u32 s5, $0x1;
	s7 =	sshll.u32 s6, $0x7  }
0x8: {  	s8 =	ssub.s32 s5, s8;
	s31 =	sshll.u32 s6, $0x4;
	s7 =	sadd.s32 s7, s4  }
0x9: {  	s3 =	sadd.s32 s3, s31;
	s6 =	smax.u32 s8, $0x1;
	s8 =	simm.s32 $0x1000  }
0xa: {  	v0 =	vimm.f32 $0.0e+00;
	v1 =	vimm.f32 $1.999999960e-02;
	vm0 =	vcmask $0x3F38;
	s4 =	sadd.s32 $0x400, s7;
	s5 =	sadd.s32 $0xC00, s7;
	s7 =	simm.s32 $0x1  }
.LBB2_1:
0xb: {  	[tilespmem:s2], [sflag:$0x1] =	stream.linear.gather [hbm4b:s3+s2], $0x1000, $0x38;
	[tilespmem:$0x9000] =	vst v63  }
0xc: {  	s12 =	simm.s32 $0xFFFF8000  }
0xd: {  	s13 =	simm.s32 $0x0;
	s14 =	simm.s32 $0x0;
	s15 =	simm.s32 $0x0  }
.LBB2_2:
0xe: {  	s16 =	sadd.s32 $0x8000, s12  }
0xf: {  	s17 =	sand.u32 $0x380, s15;
	s16 =	sand.u32 $0x6000, s16  }
0x10: {  	s16 =	sor.u32 s17, s16  }
0x11: {  	[tilespmem:s16+$0x1000] =	vst v0  }
0x12: {  	[tilespmem:s16+$0x1010] =	vst v0  }
0x13: {  	[tilespmem:s16+$0x1020] =	vst v0  }
0x14: {  	[tilespmem:s16+$0x1030] =	vst v0  }
0x15: {  	[tilespmem:s16+$0x1040] =	vst v0  }
0x16: {  	[tilespmem:s16+$0x1050] =	vst v0  }
0x17: {  	[tilespmem:s16+$0x1060] =	vst v0  }
0x18: {  	[tilespmem:s16+$0x1070] =	vst v0  }
0x19: {  	[tilespmem:s16+$0x1400] =	vst v0  }
0x1a: {  	[tilespmem:s16+$0x1410] =	vst v0  }
0x1b: {  	[tilespmem:s16+$0x1420] =	vst v0  }
0x1c: {  	[tilespmem:s16+$0x1430] =	vst v0  }
0x1d: {  	[tilespmem:s16+$0x1440] =	vst v0  }
0x1e: {  	[tilespmem:s16+$0x1450] =	vst v0  }
0x1f: {  	[tilespmem:s16+$0x1460] =	vst v0  }
0x20: {  	[tilespmem:s16+$0x1470] =	vst v0  }
0x21: {  	[tilespmem:s16+$0x1800] =	vst v0  }
0x22: {  	[tilespmem:s16+$0x1810] =	vst v0  }
0x23: {  	[tilespmem:s16+$0x1820] =	vst v0  }
0x24: {  	[tilespmem:s16+$0x1830] =	vst v0  }
0x25: {  	[tilespmem:s16+$0x1840] =	vst v0  }
0x26: {  	[tilespmem:s16+$0x1850] =	vst v0  }
0x27: {  	[tilespmem:s16+$0x1860] =	vst v0  }
0x28: {  	[tilespmem:s16+$0x1870] =	vst v0  }
0x29: {  	[tilespmem:s16+$0x1C00] =	vst v0  }
0x2a: {  	[tilespmem:s16+$0x1C10] =	vst v0  }
0x2b: {  	[tilespmem:s16+$0x1C20] =	vst v0  }
0x2c: {  	[tilespmem:s16+$0x1C30] =	vst v0  }
0x2d: {  	[tilespmem:s16+$0x1C40] =	vst v0  }
0x2e: {  	[tilespmem:s16+$0x1C50] =	vst v0  }
0x2f: {  	[tilespmem:s16+$0x1C60] =	vst v0  }
0x30: {  	[tilespmem:s16+$0x1C70] =	vst v0  }
0x31: {  	[tilespmem:s16+$0x2000] =	vst v0  }
0x32: {  	[tilespmem:s16+$0x2010] =	vst v0  }
0x33: {  	[tilespmem:s16+$0x2020] =	vst v0  }
0x34: {  	[tilespmem:s16+$0x2030] =	vst v0  }
0x35: {  	[tilespmem:s16+$0x2040] =	vst v0  }
0x36: {  	[tilespmem:s16+$0x2050] =	vst v0  }
0x37: {  	[tilespmem:s16+$0x2060] =	vst v0  }
0x38: {  	[tilespmem:s16+$0x2070] =	vst v0  }
0x39: {  	[tilespmem:s16+$0x2400] =	vst v0  }
0x3a: {  	[tilespmem:s16+$0x2410] =	vst v0  }
0x3b: {  	[tilespmem:s16+$0x2420] =	vst v0  }
0x3c: {  	[tilespmem:s16+$0x2430] =	vst v0  }
0x3d: {  	[tilespmem:s16+$0x2440] =	vst v0  }
0x3e: {  	[tilespmem:s16+$0x2450] =	vst v0  }
0x3f: {  	[tilespmem:s16+$0x2460] =	vst v0  }
0x40: {  	[tilespmem:s16+$0x2470] =	vst v0  }
0x41: {  	[tilespmem:s16+$0x2800] =	vst v0  }
0x42: {  	[tilespmem:s16+$0x2810] =	vst v0  }
0x43: {  	[tilespmem:s16+$0x2820] =	vst v0  }
0x44: {  	[tilespmem:s16+$0x2830] =	vst v0  }
0x45: {  	s23 =	sand.u32 $0x7, s13;
	[tilespmem:s16+$0x2840] =	vst v0  }
0x46: {  	s17 =	sshll.u32 s23, $0x7;
	[tilespmem:s16+$0x2850] =	vst v0  }
0x47: {  	s17 =	sadd.s32 s17, s14;
	[tilespmem:s16+$0x2860] =	vst v0  }
0x48: {  	[tilespmem:s16+$0x2870] =	vst v0;
	s24 =	sor.u32 $0x1C00, s17  }
0x49: {  	s25 =	sor.u32 $0x1C10, s17;
	[tilespmem:s24+$0x1000] =	vst v0  }
0x4a: {  	p0 =	sne.s32 s15, $0xF80;
	s26 =	sor.u32 $0x1C20, s17;
	[tilespmem:s25+$0x1000] =	vst v0  }
.Ltmp0:
0x4b: {  	s28 =	sor.u32 $0x1C30, s17;
	[tilespmem:s26+$0x1000] =	vst v0;
	(pc) =	sbr.rel @p0 .LBB2_2-.Ltmp0, $4  }
0x4c: {  	s29 =	sor.u32 $0x1C40, s17;
	[tilespmem:s28+$0x1000] =	vst v0  }
0x4d: {  	s30 =	sor.u32 $0x1C50, s17;
	[tilespmem:s29+$0x1000] =	vst v0  }
0x4e: {  	s13 =	sadd.s32 $0x1, s13;
	s31 =	sor.u32 $0x1C58, s17;
	[tilespmem:s30+$0x1000] =	vst v0  }
0x4f: {  	s12 =	sadd.s32 $0x400, s12;
	s15 =	sadd.s32 $0x80, s15;
	s14 =	sadd.s32 $0x400, s14;
	[tilespmem:s31+$0x1000] =	vst v0  }
0x50: {  	_ =	swait.ge [sflag:s7], $0x1000  }
0x51: {  	[sflag:s7] =	ssyncset.done $0x0  }
0x52: {  	s12 =	simm.s32 $0x0;
	s13 =	simm.s32 $0x20;
	[sflag:s7] =	ssyncadd.s32 $0xFFFFF000  }
.LBB2_4:
0x53: {  	v2 =	vld [tilespmem:s13+$0xFFFFFFE0];
	_ =	sdelay $0x3  }
0x54: {  	v3 =	vmov s12  }
0x55: {  	v4 =	vshll.u32 v3, $0xA;
	v5 =	vshll.u32 v2, $0x3  }
0x56: {  	v4 =	vand.u32 $0x2000, v4;
	v5 =	vand.u32 $0xFFFFFC00, v5  }
0x57: {  	v3 =	vshll.u32 v3, $0x7;
	v2 =	vand.u32 $0x7F, v2;
	v5 =	vadd.s32 v4, v5  }
0x58: {  	v3 =	vand.u32 $0x380, v3;
	v2 =	vor.u32 v2, v5  }
0x59: {  	v2 =	vor.u32 v3, v2;
	_ =	sdelay $0x4  }
0x5a: {  	[tilespmem:v2+s8+$0x0] =	vst.idx.add.f32.msk $0xffff, v1  }
0x5b: {  	v2 =	vld [tilespmem:s13+$0xFFFFFFF0];
	_ =	sdelay $0x4  }
0x5c: {  	v61 =	vshll.u32 v2, $0x3  }
0x5d: {  	v5 =	vand.u32 $0xFFFFFC00, v61  }
0x5e: {  	v2 =	vand.u32 $0x7F, v2;
	v5 =	vadd.s32 v4, v5  }
0x5f: {  	v2 =	vor.u32 v2, v5  }
0x60: {  	v2 =	vor.u32 v3, v2;
	_ =	sdelay $0x4  }
0x61: {  	[tilespmem:v2+s8+$0x0] =	vst.idx.add.f32.msk $0xffff, v1  }
0x62: {  	v2 =	vld [tilespmem:s13+$0x0];
	_ =	sdelay $0x4  }
0x63: {  	v62 =	vshll.u32 v2, $0x3  }
0x64: {  	v5 =	vand.u32 $0xFFFFFC00, v62  }
0x65: {  	v2 =	vand.u32 $0x7F, v2;
	v5 =	vadd.s32 v4, v5  }
0x66: {  	v2 =	vor.u32 v2, v5  }
0x67: {  	v2 =	vor.u32 v3, v2;
	_ =	sdelay $0x4  }
0x68: {  	[tilespmem:v2+s8+$0x0] =	vst.idx.add.f32.msk $0xffff, v1  }
0x69: {  	v2 =	vld [tilespmem:s13+$0x2];
	_ =	sdelay $0x4  }
0x6a: {  	v63 =	vshll.u32 v2, $0x3  }
0x6b: {  	v5 =	vand.u32 $0xFFFFFC00, v63  }
0x6c: {  	v2 =	vand.u32 $0x7F, v2;
	v4 =	vadd.s32 v4, v5  }
0x6d: {  	v2 =	vor.u32 v2, v4  }
0x6e: {  	p0 =	sne.s32 s12, $0xF;
	v2 =	vor.u32 v3, v2  }
.Ltmp1:
0x6f: {  	_ = 	snop;
	(pc) =	sbr.rel @p0 .LBB2_4-.Ltmp1, $2  }
0x70: {  	_ =	sdelay $0x2  }
0x71: {  	s12 =	sadd.s32 $0x1, s12;
	s13 =	sadd.s32 $0x80, s13;
	[tilespmem:v2+s8+$0x0] =	vst.idx.add.f32.msk vm0, v1  }
0x72: {  	[hbm4b:s4+s2] =	stream.linear.scatter [tilespmem:s8], [sflag:$0x2], $0x4000, $0x38;
	[tilespmem:$0x9000] =	vst v63  }
0x73: {  	s12 =	simm.s32 $0x10;
	s13 =	simm.s32 $0x822  }
.LBB2_6:
0x74: {  	v2 =	vld [tilespmem:s13+$0xFFFFFFDE];
	_ =	sdelay $0x3  }
0x75: {  	v3 =	vmov s12  }
0x76: {  	v4 =	vshll.u32 v3, $0xA;
	v5 =	vshll.u32 v2, $0x3  }
0x77: {  	v4 =	vand.u32 $0x6000, v4;
	v5 =	vand.u32 $0xFFFFFC00, v5  }
0x78: {  	v3 =	vshll.u32 v3, $0x7;
	v2 =	vand.u32 $0x7F, v2;
	v5 =	vadd.s32 v4, v5  }
0x79: {  	v3 =	vand.u32 $0x380, v3;
	v2 =	vor.u32 v2, v5  }
0x7a: {  	v2 =	vor.u32 v3, v2;
	_ =	sdelay $0x4  }
0x7b: {  	[tilespmem:v2+s8+$0x0] =	vst.idx.add.f32.msk $0xffff, v1  }
0x7c: {  	v2 =	vld [tilespmem:s13+$0xFFFFFFEE];
	_ =	sdelay $0x4  }
0x7d: {  	v61 =	vshll.u32 v2, $0x3  }
0x7e: {  	v5 =	vand.u32 $0xFFFFFC00, v61  }
0x7f: {  	v2 =	vand.u32 $0x7F, v2;
	v5 =	vadd.s32 v4, v5  }
0x80: {  	v2 =	vor.u32 v2, v5  }
0x81: {  	v2 =	vor.u32 v3, v2;
	_ =	sdelay $0x4  }
0x82: {  	[tilespmem:v2+s8+$0x0] =	vst.idx.add.f32.msk $0xffff, v1  }
0x83: {  	v2 =	vld [tilespmem:s13+$0xFFFFFFFE];
	_ =	sdelay $0x4  }
0x84: {  	v62 =	vshll.u32 v2, $0x3  }
0x85: {  	v5 =	vand.u32 $0xFFFFFC00, v62  }
0x86: {  	v2 =	vand.u32 $0x7F, v2;
	v5 =	vadd.s32 v4, v5  }
0x87: {  	v2 =	vor.u32 v2, v5  }
0x88: {  	v2 =	vor.u32 v3, v2;
	_ =	sdelay $0x4  }
0x89: {  	[tilespmem:v2+s8+$0x0] =	vst.idx.add.f32.msk $0xffff, v1  }
0x8a: {  	v2 =	vld [tilespmem:s13+$0x0];
	_ =	sdelay $0x4  }
0x8b: {  	v63 =	vshll.u32 v2, $0x3  }
0x8c: {  	v5 =	vand.u32 $0xFFFFFC00, v63  }
0x8d: {  	v2 =	vand.u32 $0x7F, v2;
	v4 =	vadd.s32 v4, v5  }
0x8e: {  	v2 =	vor.u32 v2, v4  }
0x8f: {  	p0 =	sne.s32 s12, $0x1F;
	v2 =	vor.u32 v3, v2  }
.Ltmp2:
0x90: {  	_ = 	snop;
	(pc) =	sbr.rel @p0 .LBB2_6-.Ltmp2, $2  }
0x91: {  	_ =	sdelay $0x2  }
0x92: {  	s12 =	sadd.s32 $0x1, s12;
	s13 =	sadd.s32 $0x80, s13;
	[tilespmem:v2+s8+$0x0] =	vst.idx.add.f32.msk vm0, v1  }
0x93: {  	[hbm4b:s5+s2] =	stream.linear.scatter [tilespmem:s9], [sflag:$0x2], $0x4000, $0x38;
	[tilespmem:$0x9000] =	vst v63  }
0x94: {  	s11 =	sadd.s32 $0x1, s11  }
0x95: {  	_ =	swait.ge [sflag:s10], $0x4000;
	p0 =	sne.s32 s11, s6  }
.Ltmp3:
0x96: {  	[sflag:s10] =	ssyncset.done $0x0;
	(pc) =	sbr.rel @p0 .LBB2_1-.Ltmp3, $4  }
0x97: {  	[sflag:s10] =	ssyncadd.s32 $0xFFFFC000  }
0x98: {  	_ =	swait.ge [sflag:s10], $0x4000  }
0x99: {  	[sflag:s10] =	ssyncset.done $0x0  }
0x9a: {  	[sflag:s10] =	ssyncadd.s32 $0xFFFFC000  }
0x9b: {  	_ =	sfence.sel $0x180000  }
0x9c: {  	[bflag:$0x0] =	sbarrier.arrive $0xFFFF  }
0x9d: {  	p0 =	sne.s32 s1, $0x0;
	_ =	strace $0x90000047  }
0x9e: {  	s0 =	sadd.s32 @!p0 $0x100000, s0;
	[bflag:$0x2] =	sbarrier.arrive $0xFFFF  }
0x9f: {  	[sflag:s0] =	ssyncadd.tile.s32 @!p0 $0x1;
	_ =	shalt  }
.Lfunc_end2:
_tile_overlayer_lowered:
.L_overlay_start_2:
0xa0: {  	(tag) =	ssettag $0x2  }
0xa1: {  	s0 =	rddreg [dreg:$0x0];
	s2 =	stileid.u32  }
0xa2: {  	s1 =	rddreg [dreg:$0x1];
	p0 =	sne.s32 s2, $0x0  }
0xa3: {  	s3 =	rddreg [dreg:$0x2];
	[bflag:$0x3] =	sbarrier.arrive $0xFFFF;
	s2 =	simm.s32 @!p0 $0x1C03  }
0xa4: {  	[timem:s3], [sflag:s2] =	dma.local @!p0 [hbm:s0], s1  }
0xa5: {  	s0 =	simm.s32 @!p0 $0x3  }
0xa6: {  	_ =	swait.ge @!p0 [sflag:s0], s1  }
0xa7: {  	s1 =	ssub.s32 @!p0 $0x0, s1;
	[sflag:s0] =	ssyncset.done @!p0 $0x0  }
0xa8: {  	[sflag:s0] =	ssyncadd.s32 @!p0 s1  }
0xa9: {  	[bflag:$0x3] =	sbarrier.arrive $0xFFFF  }
0xaa: {  	_ =	shalt  }

</sc_bundles>
